<compile_context>
chip_gen: v7x
topology: tpu7x:2x2x1
jax: 0.10.2.dev20260603
libtpu: 0.0.44.dev20260713+nightly
codegen_flags: <defaults>
</compile_context>

<pallas_src>
import functools

import jax
import jax.numpy as jnp
from jax import lax
from jax.experimental import pallas as pl
from jax.experimental.pallas import tpu as pltpu
from jax.experimental.pallas import tpu_sc as plsc

_TEMP = 0.05
_B = 1024
_D = 128
_WLANES = 128


def _sc_gather_body(feat_hbm, w2_hbm, tgt_hbm, ind_hbm, rows_out, w_out,
                    tidx_v, iidx_v, iwrow_v, rows_v, wrows_v, sem1, sem2,
                    *, b_per_w):
    wid = lax.axis_index("s") * 2 + lax.axis_index("c")
    base = wid * b_per_w
    pltpu.sync_copy(tgt_hbm.at[pl.ds(base, b_per_w)], tidx_v)
    pltpu.sync_copy(ind_hbm.at[pl.ds(base, b_per_w)], iidx_v)
    cp1 = pltpu.async_copy(feat_hbm.at[tidx_v], rows_v, sem1)
    for c in range(b_per_w // 16):
        v = iidx_v[pl.ds(c * 16, 16)]
        iwrow_v[pl.ds(c * 16, 16)] = lax.shift_right_logical(v, 7)
    cp2 = pltpu.async_copy(w2_hbm.at[iwrow_v], wrows_v, sem2)
    cp1.wait()
    cp2.wait()
    pltpu.sync_copy(rows_v, rows_out.at[pl.ds(base, b_per_w)])
    pltpu.sync_copy(wrows_v, w_out.at[pl.ds(base, b_per_w)])


def _sc_gather(features, w2, targets, inds):
    info = plsc.get_sparse_core_info()
    n_workers = info.num_cores * info.num_subcores
    b_per_w = _B // n_workers
    mesh = plsc.VectorSubcoreMesh(core_axis_name="c", subcore_axis_name="s")
    body = functools.partial(_sc_gather_body, b_per_w=b_per_w)
    return pl.kernel(
        body, mesh=mesh,
        out_type=[jax.ShapeDtypeStruct((_B, _D), jnp.float32),
                  jax.ShapeDtypeStruct((_B, _WLANES), jnp.float32)],
        scratch_types=[
            pltpu.VMEM((b_per_w,), jnp.int32),
            pltpu.VMEM((b_per_w,), jnp.int32),
            pltpu.VMEM((b_per_w,), jnp.int32),
            pltpu.VMEM((b_per_w, _D), jnp.float32),
            pltpu.VMEM((b_per_w, _WLANES), jnp.float32),
            pltpu.SemaphoreType.DMA,
            pltpu.SemaphoreType.DMA,
        ],
    )(features, w2, targets, inds)


def _lse_kernel(x_ref, feat_ref, s_out_ref, xn_ref, s_ref, *, n_blocks):
    j = pl.program_id(0)

    @pl.when(j == 0)
    def _init():
        x = x_ref[...]
        nrm = jnp.sqrt(jnp.sum(x * x, axis=1, keepdims=True))
        scale = 1.4426950408889634 / _TEMP
        xn_ref[...] = (x * (scale / jnp.maximum(nrm, 1e-12))
                       ).astype(jnp.bfloat16)
        s_ref[...] = jnp.zeros_like(s_ref)

    logits2 = jax.lax.dot_general(
        xn_ref[...], feat_ref[...].astype(jnp.bfloat16),
        (((1,), (1,)), ((), ())),
        preferred_element_type=jnp.float32)
    s_ref[...] += jnp.sum(jnp.exp2(logits2), axis=1, keepdims=True)

    @pl.when(j == n_blocks - 1)
    def _fin():
        s_out_ref[...] = s_ref[...]


def _combine_kernel(x_ref, rows_ref, wrows_ref, ind_ref, s_ref, out_ref):
    x = x_ref[...]
    nrm = jnp.sqrt(jnp.sum(x * x, axis=1, keepdims=True))
    xn = x / jnp.maximum(nrm, 1e-12)
    tl = jnp.sum(xn * rows_ref[...], axis=1, keepdims=True) * (1.0 / _TEMP)
    lane = jax.lax.broadcasted_iota(jnp.int32, (_B, _WLANES), 1)
    w = jnp.sum(jnp.where(lane == ind_ref[...] % _WLANES, wrows_ref[...], 0.0),
                axis=1, keepdims=True)
    per = (jnp.log(s_ref[...]) - tl) * w
    out_ref[...] = jnp.full_like(out_ref, jnp.sum(per) / _B)


def _tc_part(inputs, features, tgt_rows, wrows, inds):
    k_total = features.shape[0]
    blk_k = 10000
    n_blocks = k_total // blk_k

    s = pl.pallas_call(
        functools.partial(_lse_kernel, n_blocks=n_blocks),
        grid=(n_blocks,),
        in_specs=[
            pl.BlockSpec((_B, _D), lambda j: (0, 0)),
            pl.BlockSpec((blk_k, _D), lambda j: (j, 0)),
        ],
        out_specs=pl.BlockSpec((_B, 1), lambda j: (0, 0)),
        out_shape=jax.ShapeDtypeStruct((_B, 1), jnp.float32),
        scratch_shapes=[
            pltpu.VMEM((_B, _D), jnp.bfloat16),
            pltpu.VMEM((_B, 1), jnp.float32),
        ],
        compiler_params=pltpu.CompilerParams(
            dimension_semantics=("arbitrary",)),
    )(inputs, features)

    out = pl.pallas_call(
        _combine_kernel,
        in_specs=[
            pl.BlockSpec((_B, _D), lambda: (0, 0)),
            pl.BlockSpec((_B, _D), lambda: (0, 0)),
            pl.BlockSpec((_B, _WLANES), lambda: (0, 0)),
            pl.BlockSpec((_B, 1), lambda: (0, 0)),
            pl.BlockSpec((_B, 1), lambda: (0, 0)),
        ],
        out_specs=pl.BlockSpec((8, 128), lambda: (0, 0)),
        out_shape=jax.ShapeDtypeStruct((8, 128), jnp.float32),
    )(inputs, tgt_rows, wrows, inds.astype(jnp.int32).reshape(_B, 1), s)
    return out[0, 0]


def kernel(inputs, targets, inds, features, weight):
    k_total = features.shape[0]
    n_wrows = pl.cdiv(k_total, _WLANES)
    wpad = jnp.pad(weight, (0, n_wrows * _WLANES - k_total))
    tgt_rows, wrows = _sc_gather(features,
                                 wpad.reshape(n_wrows, _WLANES),
                                 targets.astype(jnp.int32),
                                 inds.astype(jnp.int32))
    return _tc_part(inputs, features, tgt_rows, wrows, inds)

# --- scband reference (transcript-rebuilt; emitter-appended) ---
"""Pipeline reference for scband-cluster-memory-weight-55456617726496 (READ-ONLY COPY).

The authoritative reference and input builder live on the scoring server;
editing this copy changes nothing except your own understanding.
"""

import jax, jax.numpy as jnp
import numpy as np

TEMP = 0.05
MOMENTUM = 0.2
B = 1024
K = 100000
D = 128


def setup_inputs(seed: int = 0) -> dict:
    key = jax.random.key(seed)
    k1, k2, k3, k4, k5 = jax.random.split(key, 5)
    inputs = jax.random.normal(k1, (B, D), dtype=jnp.float32)
    targets = jax.random.randint(k2, (B,), 0, K)
    inds = jax.random.randint(k3, (B,), 0, K)
    # cluster memory bank (buffer). Torch inits to zeros; use normalized randn so
    # logits/loss/grads are non-degenerate.
    features = jax.random.normal(k4, (K, D), dtype=jnp.float32)
    features = features / jnp.linalg.norm(features, axis=1, keepdims=True)
    # per-instance weight vector (self.weight), indexed by inds
    weight = jax.random.uniform(k5, (K,), dtype=jnp.float32)
    return {"inputs": inputs, "targets": targets, "inds": inds,
            "features": features, "weight": weight}


def reference(inputs, targets, inds, features, weight):
    # F.normalize(inputs, dim=1)
    nrm = jnp.clip(jnp.linalg.norm(inputs, axis=1, keepdims=True), 1e-12)
    x = inputs / nrm
    # gather per-instance weights
    w = jnp.take(weight, inds, axis=0)
    # CM_weight.forward: inputs.mm(features.t())  (features is a constant buffer)
    logits = x @ features.T
    logits = logits / TEMP
    # F.cross_entropy(..., reduction='none')
    lse = jax.nn.logsumexp(logits, axis=1)
    tgt_logit = jnp.take_along_axis(logits, targets[:, None], axis=1)[:, 0]
    per_sample = lse - tgt_logit
    loss = (per_sample * w).mean()
    return loss

if __name__ == "__main__":
    import jax
    _d = setup_inputs()
    print(jax.jit(kernel)(*tuple(_d.values())))

</pallas_src>

<mosaic_0001>
#map = affine_map<(d0, d1) -> (0, 0)>
#map1 = affine_map<(d0, d1) -> (0)>
module attributes {stable_mosaic.version = 14 : i64} {
  func.func @_sc_gather_body(%arg0: i32, %arg1: i32, %arg2: memref<100000x128xf32, #tpu.memory_space<hbm>>, %arg3: memref<782x128xf32, #tpu.memory_space<hbm>>, %arg4: memref<1024xi32, #tpu.memory_space<hbm>>, %arg5: memref<1024xi32, #tpu.memory_space<hbm>>, %arg6: memref<1024x128xf32, #tpu.memory_space<hbm>>, %arg7: memref<1024x128xf32, #tpu.memory_space<hbm>>, %arg8: memref<32xi32, #tpu.memory_space<vmem>>, %arg9: memref<32xi32, #tpu.memory_space<vmem>>, %arg10: memref<32xi32, #tpu.memory_space<vmem>>, %arg11: memref<32x128xf32, #tpu.memory_space<vmem>>, %arg12: memref<32x128xf32, #tpu.memory_space<vmem>>, %arg13: memref<!tpu.dma_semaphore, #tpu.memory_space<semaphore_mem>>, %arg14: memref<!tpu.dma_semaphore, #tpu.memory_space<semaphore_mem>>) attributes {dimension_semantics = [#tpu.dimension_semantics<core_parallel>, #tpu.dimension_semantics<subcore_parallel>], iteration_bounds = array<i64: 2, 16>, scalar_prefetch = 0 : i64, scratch_operands = 7 : i64, tpu.core_type = #tpu.core_type<sc_vector_subcore>, window_params = [{transform_indices = #map}, {transform_indices = #map}, {transform_indices = #map1}, {transform_indices = #map1}, {transform_indices = #map}, {transform_indices = #map}]} {
    %mul3A = arith.constant 2 : i32
    %mul3A_0 = arith.muli %arg1, %mul3A : i32
    %add3A = arith.addi %mul3A_0, %arg0 : i32
    %mul3A_1 = arith.constant 32 : i32
    %mul3A_2 = arith.muli %add3A, %mul3A_1 : i32
    "tpu.region"() ({
      %run_scoped3A = tpu.sem_alloc : memref<!tpu.dma_semaphore, #tpu.memory_space<semaphore_mem>>
      %dma_start3A_30 = tpu.memref_slice %arg4[%mul3A_2] : memref<1024xi32, #tpu.memory_space<hbm>> -> memref<32xi32, #tpu.memory_space<hbm>>
      %dma_start3A_31 = tpu.memref_slice %arg4[%mul3A_2] : memref<1024xi32, #tpu.memory_space<hbm>> -> memref<32xi32, #tpu.memory_space<hbm>>
      tpu.enqueue_dma source(%dma_start3A_31 : memref<32xi32, #tpu.memory_space<hbm>>) target(%arg8 : memref<32xi32, #tpu.memory_space<vmem>>) target_semaphore(%run_scoped3A : memref<!tpu.dma_semaphore, #tpu.memory_space<semaphore_mem>>)
      %dma_wait3A_32 = tpu.memref_slice %arg4[%mul3A_2] : memref<1024xi32, #tpu.memory_space<hbm>> -> memref<32xi32, #tpu.memory_space<hbm>>
      %dma_wait3A_33 = tpu.memref_slice %arg4[%mul3A_2] : memref<1024xi32, #tpu.memory_space<hbm>> -> memref<32xi32, #tpu.memory_space<hbm>>
      tpu.wait_dma2 semaphore(%run_scoped3A : memref<!tpu.dma_semaphore, #tpu.memory_space<semaphore_mem>>) src(%dma_wait3A_33 : memref<32xi32, #tpu.memory_space<hbm>>) dst(%arg8 : memref<32xi32, #tpu.memory_space<vmem>>)
      tpu.yield
    }) : () -> ()
    "tpu.region"() ({
      %run_scoped3A = tpu.sem_alloc : memref<!tpu.dma_semaphore, #tpu.memory_space<semaphore_mem>>
      %dma_start3A_30 = tpu.memref_slice %arg5[%mul3A_2] : memref<1024xi32, #tpu.memory_space<hbm>> -> memref<32xi32, #tpu.memory_space<hbm>>
      %dma_start3A_31 = tpu.memref_slice %arg5[%mul3A_2] : memref<1024xi32, #tpu.memory_space<hbm>> -> memref<32xi32, #tpu.memory_space<hbm>>
      tpu.enqueue_dma source(%dma_start3A_31 : memref<32xi32, #tpu.memory_space<hbm>>) target(%arg9 : memref<32xi32, #tpu.memory_space<vmem>>) target_semaphore(%run_scoped3A : memref<!tpu.dma_semaphore, #tpu.memory_space<semaphore_mem>>)
      %dma_wait3A_32 = tpu.memref_slice %arg5[%mul3A_2] : memref<1024xi32, #tpu.memory_space<hbm>> -> memref<32xi32, #tpu.memory_space<hbm>>
      %dma_wait3A_33 = tpu.memref_slice %arg5[%mul3A_2] : memref<1024xi32, #tpu.memory_space<hbm>> -> memref<32xi32, #tpu.memory_space<hbm>>
      tpu.wait_dma2 semaphore(%run_scoped3A : memref<!tpu.dma_semaphore, #tpu.memory_space<semaphore_mem>>) src(%dma_wait3A_33 : memref<32xi32, #tpu.memory_space<hbm>>) dst(%arg9 : memref<32xi32, #tpu.memory_space<vmem>>)
      tpu.yield
    }) : () -> ()
    %dma_start3A = arith.constant 0 : i32
    %dma_start3A_3 = arith.constant 0 : i32
    %dma_start3A_4 = tpu.memref_slice %arg2[%dma_start3A, %dma_start3A_3] : memref<100000x128xf32, #tpu.memory_space<hbm>> -> memref<100000x128xf32, #tpu.memory_space<hbm>>
    tpu.enqueue_indirect_dma source(%dma_start3A_4 : memref<100000x128xf32, #tpu.memory_space<hbm>>) target(%arg11 : memref<32x128xf32, #tpu.memory_space<vmem>>) offsets(%arg8 : memref<32xi32, #tpu.memory_space<vmem>>) semaphore(%arg13 : memref<!tpu.dma_semaphore, #tpu.memory_space<semaphore_mem>>)
    %get3A = arith.constant 0 : index
    %get3A_5 = tpu.vector_load %arg9[%get3A] {strides = array<i32>} : memref<32xi32, #tpu.memory_space<vmem>>, vector<16xi32>,
    %get3A_6 = vector.shape_cast %get3A_5 : vector<16xi32> to vector<16xi32>
    %shift_right_logical3A = arith.constant 7 : i32
    %shift_right_logical3A_7 = vector.broadcast %shift_right_logical3A : i32 to vector<16xi32>
    %shift_right_logical3A_8 = arith.shrui %get3A_6, %shift_right_logical3A_7 : vector<16xi32>
    %swap3A = arith.constant 0 : index
    %swap3A_9 = tpu.vector_load %arg10[%swap3A] {strides = array<i32>} : memref<32xi32, #tpu.memory_space<vmem>>, vector<16xi32>,
    %swap3A_10 = vector.shape_cast %swap3A_9 : vector<16xi32> to vector<16xi32>
    %swap3A_11 = vector.shape_cast %shift_right_logical3A_8 : vector<16xi32> to vector<16xi32>
    tpu.vector_store %arg10[%swap3A], %swap3A_11 {strides = array<i32>} : memref<32xi32, #tpu.memory_space<vmem>>, vector<16xi32>,
    %get3A_12 = arith.constant 16 : index
    %get3A_13 = tpu.vector_load %arg9[%get3A_12] {strides = array<i32>} : memref<32xi32, #tpu.memory_space<vmem>>, vector<16xi32>,
    %get3A_14 = vector.shape_cast %get3A_13 : vector<16xi32> to vector<16xi32>
    %shift_right_logical3A_15 = arith.constant 7 : i32
    %shift_right_logical3A_16 = vector.broadcast %shift_right_logical3A_15 : i32 to vector<16xi32>
    %shift_right_logical3A_17 = arith.shrui %get3A_14, %shift_right_logical3A_16 : vector<16xi32>
    %swap3A_18 = arith.constant 16 : index
    %swap3A_19 = tpu.vector_load %arg10[%swap3A_18] {strides = array<i32>} : memref<32xi32, #tpu.memory_space<vmem>>, vector<16xi32>,
    %swap3A_20 = vector.shape_cast %swap3A_19 : vector<16xi32> to vector<16xi32>
    %swap3A_21 = vector.shape_cast %shift_right_logical3A_17 : vector<16xi32> to vector<16xi32>
    tpu.vector_store %arg10[%swap3A_18], %swap3A_21 {strides = array<i32>} : memref<32xi32, #tpu.memory_space<vmem>>, vector<16xi32>,
    %dma_start3A_22 = arith.constant 0 : i32
    %dma_start3A_23 = arith.constant 0 : i32
    %dma_start3A_24 = tpu.memref_slice %arg3[%dma_start3A_22, %dma_start3A_23] : memref<782x128xf32, #tpu.memory_space<hbm>> -> memref<782x128xf32, #tpu.memory_space<hbm>>
    tpu.enqueue_indirect_dma source(%dma_start3A_24 : memref<782x128xf32, #tpu.memory_space<hbm>>) target(%arg12 : memref<32x128xf32, #tpu.memory_space<vmem>>) offsets(%arg10 : memref<32xi32, #tpu.memory_space<vmem>>) semaphore(%arg14 : memref<!tpu.dma_semaphore, #tpu.memory_space<semaphore_mem>>)
    %dma_wait3A = arith.constant 0 : i32
    %dma_wait3A_25 = arith.constant 0 : i32
    %dma_wait3A_26 = tpu.memref_slice %arg2[%dma_wait3A, %dma_wait3A_25] : memref<100000x128xf32, #tpu.memory_space<hbm>> -> memref<100000x128xf32, #tpu.memory_space<hbm>>
    tpu.wait_indirect_dma semaphore(%arg13 : memref<!tpu.dma_semaphore, #tpu.memory_space<semaphore_mem>>) src(%dma_wait3A_26 : memref<100000x128xf32, #tpu.memory_space<hbm>>) dst(%arg11 : memref<32x128xf32, #tpu.memory_space<vmem>>)
    %dma_wait3A_27 = arith.constant 0 : i32
    %dma_wait3A_28 = arith.constant 0 : i32
    %dma_wait3A_29 = tpu.memref_slice %arg3[%dma_wait3A_27, %dma_wait3A_28] : memref<782x128xf32, #tpu.memory_space<hbm>> -> memref<782x128xf32, #tpu.memory_space<hbm>>
    tpu.wait_indirect_dma semaphore(%arg14 : memref<!tpu.dma_semaphore, #tpu.memory_space<semaphore_mem>>) src(%dma_wait3A_29 : memref<782x128xf32, #tpu.memory_space<hbm>>) dst(%arg12 : memref<32x128xf32, #tpu.memory_space<vmem>>)
    "tpu.region"() ({
      %run_scoped3A = tpu.sem_alloc : memref<!tpu.dma_semaphore, #tpu.memory_space<semaphore_mem>>
      %dma_start3A_30 = arith.constant 0 : i32
      %dma_start3A_31 = tpu.memref_slice %arg6[%mul3A_2, %dma_start3A_30] : memref<1024x128xf32, #tpu.memory_space<hbm>> -> memref<32x128xf32, #tpu.memory_space<hbm>>
      %dma_start3A_32 = arith.constant 0 : i32
      %dma_start3A_33 = tpu.memref_slice %arg6[%mul3A_2, %dma_start3A_32] : memref<1024x128xf32, #tpu.memory_space<hbm>> -> memref<32x128xf32, #tpu.memory_space<hbm>>
      tpu.enqueue_dma source(%arg11 : memref<32x128xf32, #tpu.memory_space<vmem>>) target(%dma_start3A_33 : memref<32x128xf32, #tpu.memory_space<hbm>>) target_semaphore(%run_scoped3A : memref<!tpu.dma_semaphore, #tpu.memory_space<semaphore_mem>>)
      %dma_wait3A_34 = arith.constant 0 : i32
      %dma_wait3A_35 = tpu.memref_slice %arg6[%mul3A_2, %dma_wait3A_34] : memref<1024x128xf32, #tpu.memory_space<hbm>> -> memref<32x128xf32, #tpu.memory_space<hbm>>
      %dma_wait3A_36 = arith.constant 0 : i32
      %dma_wait3A_37 = tpu.memref_slice %arg6[%mul3A_2, %dma_wait3A_36] : memref<1024x128xf32, #tpu.memory_space<hbm>> -> memref<32x128xf32, #tpu.memory_space<hbm>>
      tpu.wait_dma2 semaphore(%run_scoped3A : memref<!tpu.dma_semaphore, #tpu.memory_space<semaphore_mem>>) src(%arg11 : memref<32x128xf32, #tpu.memory_space<vmem>>) dst(%dma_wait3A_37 : memref<32x128xf32, #tpu.memory_space<hbm>>)
      tpu.yield
    }) : () -> ()
    "tpu.region"() ({
      %run_scoped3A = tpu.sem_alloc : memref<!tpu.dma_semaphore, #tpu.memory_space<semaphore_mem>>
      %dma_start3A_30 = arith.constant 0 : i32
      %dma_start3A_31 = tpu.memref_slice %arg7[%mul3A_2, %dma_start3A_30] : memref<1024x128xf32, #tpu.memory_space<hbm>> -> memref<32x128xf32, #tpu.memory_space<hbm>>
      %dma_start3A_32 = arith.constant 0 : i32
      %dma_start3A_33 = tpu.memref_slice %arg7[%mul3A_2, %dma_start3A_32] : memref<1024x128xf32, #tpu.memory_space<hbm>> -> memref<32x128xf32, #tpu.memory_space<hbm>>
      tpu.enqueue_dma source(%arg12 : memref<32x128xf32, #tpu.memory_space<vmem>>) target(%dma_start3A_33 : memref<32x128xf32, #tpu.memory_space<hbm>>) target_semaphore(%run_scoped3A : memref<!tpu.dma_semaphore, #tpu.memory_space<semaphore_mem>>)
      %dma_wait3A_34 = arith.constant 0 : i32
      %dma_wait3A_35 = tpu.memref_slice %arg7[%mul3A_2, %dma_wait3A_34] : memref<1024x128xf32, #tpu.memory_space<hbm>> -> memref<32x128xf32, #tpu.memory_space<hbm>>
      %dma_wait3A_36 = arith.constant 0 : i32
      %dma_wait3A_37 = tpu.memref_slice %arg7[%mul3A_2, %dma_wait3A_36] : memref<1024x128xf32, #tpu.memory_space<hbm>> -> memref<32x128xf32, #tpu.memory_space<hbm>>
      tpu.wait_dma2 semaphore(%run_scoped3A : memref<!tpu.dma_semaphore, #tpu.memory_space<semaphore_mem>>) src(%arg12 : memref<32x128xf32, #tpu.memory_space<vmem>>) dst(%dma_wait3A_37 : memref<32x128xf32, #tpu.memory_space<hbm>>)
      tpu.yield
    }) : () -> ()
    return
  }
}

module attributes {stable_mosaic.version = 14 : i64} {
  func.func @_combine_kernel(%arg0: memref<1024x128xf32, #tpu.memory_space<vmem>>, %arg1: memref<1024x128xf32, #tpu.memory_space<vmem>>, %arg2: memref<1024x128xf32, #tpu.memory_space<vmem>>, %arg3: memref<1024x1xi32, #tpu.memory_space<vmem>>, %arg4: memref<1024x1xf32, #tpu.memory_space<vmem>>, %arg5: memref<8x128xf32, #tpu.memory_space<vmem>>) attributes {dimension_semantics = [], scalar_prefetch = 0 : i64, scratch_operands = 0 : i64, tpu.core_type = #tpu.core_type<tc>} {
    %get3A = arith.constant 0 : index
    %get3A_0 = arith.constant 0 : index
    %get3A_1 = vector.load %arg0[%get3A, %get3A_0] : memref<1024x128xf32, #tpu.memory_space<vmem>>, vector<1024x128xf32>
    %mul3A = arith.mulf %get3A_1, %get3A_1 : vector<1024x128xf32>
    %reduce_sum3A = arith.constant dense<0.000000e+00> : vector<1024xf32>
    %reduce_sum3A_2 = vector.multi_reduction <add>, %mul3A, %reduce_sum3A [1] : vector<1024x128xf32> to vector<1024xf32>
    %broadcast_in_dim3A = vector.shape_cast %reduce_sum3A_2 : vector<1024xf32> to vector<1024x1xf32>
    %sqrt3A = math.sqrt %broadcast_in_dim3A : vector<1024x1xf32>
    %max3A = arith.constant 9.99999996E-13 : f32
    %max3A_3 = vector.broadcast %max3A : f32 to vector<1024x1xf32>
    %max3A_4 = arith.maximumf %sqrt3A, %max3A_3 : vector<1024x1xf32>
    %div3A = vector.broadcast %max3A_4 : vector<1024x1xf32> to vector<1024x128xf32>
    %div3A_5 = arith.divf %get3A_1, %div3A : vector<1024x128xf32>
    %get3A_6 = arith.constant 0 : index
    %get3A_7 = arith.constant 0 : index
    %get3A_8 = vector.load %arg1[%get3A_6, %get3A_7] : memref<1024x128xf32, #tpu.memory_space<vmem>>, vector<1024x128xf32>
    %mul3A_9 = arith.mulf %div3A_5, %get3A_8 : vector<1024x128xf32>
    %reduce_sum3A_10 = arith.constant dense<0.000000e+00> : vector<1024xf32>
    %reduce_sum3A_11 = vector.multi_reduction <add>, %mul3A_9, %reduce_sum3A_10 [1] : vector<1024x128xf32> to vector<1024xf32>
    %broadcast_in_dim3A_12 = vector.shape_cast %reduce_sum3A_11 : vector<1024xf32> to vector<1024x1xf32>
    %mul3A_13 = arith.constant 2.000000e+01 : f32
    %mul3A_14 = vector.broadcast %mul3A_13 : f32 to vector<1024x1xf32>
    %mul3A_15 = arith.mulf %broadcast_in_dim3A_12, %mul3A_14 : vector<1024x1xf32>
    %iota3A = tpu.iota {dimensions = array<i32: 1>} : vector<1024x128xi32>
    %get3A_16 = arith.constant 0 : index
    %get3A_17 = arith.constant 0 : index
    %get3A_18 = vector.load %arg3[%get3A_16, %get3A_17] : memref<1024x1xi32, #tpu.memory_space<vmem>>, vector<1024x1xi32>
    %jit3A = arith.constant 128 : i32
    %eq3A = arith.constant 0 : i32
    %eq3A_19 = arith.cmpi eq, %jit3A, %eq3A : i32
    %jit3A_20 = arith.constant 1 : i32
    %select_n3A = arith.select %eq3A_19, %jit3A_20, %jit3A : i32
    %rem3A = vector.broadcast %select_n3A : i32 to vector<1024x1xi32>
    %rem3A_21 = arith.remsi %get3A_18, %rem3A : vector<1024x1xi32>
    %ne3A = arith.constant 0 : i32
    %ne3A_22 = vector.broadcast %ne3A : i32 to vector<1024x1xi32>
    %ne3A_23 = arith.cmpi ne, %rem3A_21, %ne3A_22 : vector<1024x1xi32>
    %lt3A = arith.constant 0 : i32
    %lt3A_24 = vector.broadcast %lt3A : i32 to vector<1024x1xi32>
    %lt3A_25 = arith.cmpi slt, %rem3A_21, %lt3A_24 : vector<1024x1xi32>
    %lt3A_26 = arith.constant 0 : i32
    %lt3A_27 = arith.cmpi slt, %select_n3A, %lt3A_26 : i32
    %ne3A_28 = vector.broadcast %lt3A_27 : i1 to vector<1024x1xi1>
    %ne3A_29 = vector.broadcast %ne3A_28 : vector<1024x1xi1> to vector<1024x1xi1>
    %ne3A_30 = arith.xori %lt3A_25, %ne3A_29 : vector<1024x1xi1>
    %and3A = arith.andi %ne3A_30, %ne3A_23 : vector<1024x1xi1>
    %add3A = vector.broadcast %select_n3A : i32 to vector<1024x1xi32>
    %add3A_31 = arith.addi %rem3A_21, %add3A : vector<1024x1xi32>
    %select_n3A_32 = arith.select %and3A, %add3A_31, %rem3A_21 : vector<1024x1xi1>, vector<1024x1xi32>
    %eq3A_33 = vector.broadcast %select_n3A_32 : vector<1024x1xi32> to vector<1024x128xi32>
    %eq3A_34 = arith.cmpi eq, %iota3A, %eq3A_33 : vector<1024x128xi32>
    %get3A_35 = arith.constant 0 : index
    %get3A_36 = arith.constant 0 : index
    %get3A_37 = vector.load %arg2[%get3A_35, %get3A_36] : memref<1024x128xf32, #tpu.memory_space<vmem>>, vector<1024x128xf32>
    %jit3A_38 = arith.constant 0.000000e+00 : f32
    %broadcast_in_dim3A_39 = vector.broadcast %jit3A_38 : f32 to vector<1024x128xf32>
    %select_n3A_40 = arith.select %eq3A_34, %get3A_37, %broadcast_in_dim3A_39 : vector<1024x128xi1>, vector<1024x128xf32>
    %reduce_sum3A_41 = arith.constant dense<0.000000e+00> : vector<1024xf32>
    %reduce_sum3A_42 = vector.multi_reduction <add>, %select_n3A_40, %reduce_sum3A_41 [1] : vector<1024x128xf32> to vector<1024xf32>
    %broadcast_in_dim3A_43 = vector.shape_cast %reduce_sum3A_42 : vector<1024xf32> to vector<1024x1xf32>
    %get3A_44 = arith.constant 0 : index
    %get3A_45 = arith.constant 0 : index
    %get3A_46 = vector.load %arg4[%get3A_44, %get3A_45] : memref<1024x1xf32, #tpu.memory_space<vmem>>, vector<1024x1xf32>
    %log3A = math.log %get3A_46 : vector<1024x1xf32>
    %sub3A = arith.subf %log3A, %mul3A_15 : vector<1024x1xf32>
    %mul3A_47 = arith.mulf %sub3A, %broadcast_in_dim3A_43 : vector<1024x1xf32>
    %reduce_sum3A_48 = vector.shape_cast %mul3A_47 : vector<1024x1xf32> to vector<1x1024x1xf32>
    %reduce_sum3A_49 = arith.constant dense<0.000000e+00> : vector<1xf32>
    %reduce_sum3A_50 = vector.multi_reduction <add>, %reduce_sum3A_48, %reduce_sum3A_49 [1, 2] : vector<1x1024x1xf32> to vector<1xf32>
    %reduce_sum3A_51 = vector.shape_cast %reduce_sum3A_50 : vector<1xf32> to vector<1x1x1xf32>
    %reduce_sum3A_52 = vector.extract %reduce_sum3A_51[0, 0, 0] : f32 from vector<1x1x1xf32>
    %div3A_53 = arith.constant 1.024000e+03 : f32
    %div3A_54 = arith.divf %reduce_sum3A_52, %div3A_53 : f32
    %broadcast_in_dim3A_55 = vector.broadcast %div3A_54 : f32 to vector<8x128xf32>
    %swap3A = arith.constant 0 : index
    %swap3A_56 = arith.constant 0 : index
    %swap3A_57 = vector.load %arg5[%swap3A, %swap3A_56] : memref<8x128xf32, #tpu.memory_space<vmem>>, vector<8x128xf32>
    tpu.vector_store %arg5[%swap3A, %swap3A_56], %broadcast_in_dim3A_55 {strides = array<i32>} : memref<8x128xf32, #tpu.memory_space<vmem>>, vector<8x128xf32>,
    return
  }
}

module attributes {stable_mosaic.version = 14 : i64} {
  func.func @_lse_kernel(%arg0: i32, %arg1: memref<1024x128xf32, #tpu.memory_space<vmem>>, %arg2: memref<10000x128xf32, #tpu.memory_space<vmem>>, %arg3: memref<1024x1xf32, #tpu.memory_space<vmem>>, %arg4: memref<1024x128xbf16, #tpu.memory_space<vmem>>, %arg5: memref<1024x1xf32, #tpu.memory_space<vmem>>) attributes {dimension_semantics = [#tpu.dimension_semantics<arbitrary>], iteration_bounds = array<i64: 10>, scalar_prefetch = 0 : i64, scratch_operands = 2 : i64, tpu.core_type = #tpu.core_type<tc>, window_params = [{pipeline_mode = #tpu.pipeline_mode<synchronous>, transform_indices = @transform_0, window_bounds = array<i64: 1024, 128>}, {transform_indices = @transform_1, window_bounds = array<i64: 10000, 128>}, {pipeline_mode = #tpu.pipeline_mode<synchronous>, transform_indices = @transform_2, window_bounds = array<i64: 1024, 1>}]} {
    %eq3A = arith.constant 0 : i32
    %eq3A_0 = arith.cmpi eq, %arg0, %eq3A : i32
    %convert_element_type3A = arith.extui %eq3A_0 : i1 to i32
    %cond3A = arith.constant 0 : i32
    %cond3A_1 = arith.cmpi ne, %convert_element_type3A, %cond3A : i32
    scf.if %cond3A_1 {
      %get3A_20 = arith.constant 0 : index
      %get3A_21 = arith.constant 0 : index
      %get3A_22 = vector.load %arg1[%get3A_20, %get3A_21] : memref<1024x128xf32, #tpu.memory_space<vmem>>, vector<1024x128xf32>
      %mul3A = arith.mulf %get3A_22, %get3A_22 : vector<1024x128xf32>
      %reduce_sum3A_23 = arith.constant dense<0.000000e+00> : vector<1024xf32>
      %reduce_sum3A_24 = vector.multi_reduction <add>, %mul3A, %reduce_sum3A_23 [1] : vector<1024x128xf32> to vector<1024xf32>
      %broadcast_in_dim3A_25 = vector.shape_cast %reduce_sum3A_24 : vector<1024xf32> to vector<1024x1xf32>
      %sqrt3A = math.sqrt %broadcast_in_dim3A_25 : vector<1024x1xf32>
      %max3A = arith.constant 9.99999996E-13 : f32
      %max3A_26 = vector.broadcast %max3A : f32 to vector<1024x1xf32>
      %max3A_27 = arith.maximumf %sqrt3A, %max3A_26 : vector<1024x1xf32>
      %div3A = arith.constant 2.885390e+01 : f32
      %div3A_28 = vector.broadcast %div3A : f32 to vector<1024x1xf32>
      %div3A_29 = arith.divf %div3A_28, %max3A_27 : vector<1024x1xf32>
      %mul3A_30 = vector.broadcast %div3A_29 : vector<1024x1xf32> to vector<1024x128xf32>
      %mul3A_31 = arith.mulf %get3A_22, %mul3A_30 : vector<1024x128xf32>
      %convert_element_type3A_32 = arith.truncf %mul3A_31 : vector<1024x128xf32> to vector<1024x128xbf16>
      %swap3A_33 = arith.constant 0 : index
      %swap3A_34 = arith.constant 0 : index
      %swap3A_35 = vector.load %arg4[%swap3A_33, %swap3A_34] : memref<1024x128xbf16, #tpu.memory_space<vmem>>, vector<1024x128xbf16>
      tpu.vector_store %arg4[%swap3A_33, %swap3A_34], %convert_element_type3A_32 {strides = array<i32>} : memref<1024x128xbf16, #tpu.memory_space<vmem>>, vector<1024x128xbf16>,
      %broadcast_in_dim3A_36 = arith.constant 0.000000e+00 : f32
      %broadcast_in_dim3A_37 = vector.broadcast %broadcast_in_dim3A_36 : f32 to vector<1024x1xf32>
      %swap3A_38 = arith.constant 0 : index
      %swap3A_39 = arith.constant 0 : index
      %swap3A_40 = vector.load %arg5[%swap3A_38, %swap3A_39] : memref<1024x1xf32, #tpu.memory_space<vmem>>, vector<1024x1xf32>
      tpu.vector_store %arg5[%swap3A_38, %swap3A_39], %broadcast_in_dim3A_37 {strides = array<i32>} : memref<1024x1xf32, #tpu.memory_space<vmem>>, vector<1024x1xf32>,
    } else {
    }
    %get3A = arith.constant 0 : index
    %get3A_2 = arith.constant 0 : index
    %get3A_3 = vector.load %arg4[%get3A, %get3A_2] : memref<1024x128xbf16, #tpu.memory_space<vmem>>, vector<1024x128xbf16>
    %get3A_4 = arith.constant 0 : index
    %get3A_5 = arith.constant 0 : index
    %get3A_6 = vector.load %arg2[%get3A_4, %get3A_5] : memref<10000x128xf32, #tpu.memory_space<vmem>>, vector<10000x128xf32>
    %convert_element_type3A_7 = arith.truncf %get3A_6 : vector<10000x128xf32> to vector<10000x128xbf16>
    %dot_general3A = arith.constant dense<0.000000e+00> : vector<1024x10000xf32>
    %dot_general3A_8 = tpu.matmul %get3A_3, %convert_element_type3A_7, %dot_general3A {dimension_numbers = #tpu.dot_dimension_numbers<[1], [1], [0], [0], [0, 0, 1, 0], [], []>, transpose_lhs_hint = false} : vector<1024x128xbf16>, vector<10000x128xbf16>, vector<1024x10000xf32> -> vector<1024x10000xf32>
    %get3A_9 = arith.constant 0 : index
    %get3A_10 = arith.constant 0 : index
    %get3A_11 = vector.load %arg5[%get3A_9, %get3A_10] : memref<1024x1xf32, #tpu.memory_space<vmem>>, vector<1024x1xf32>
    %exp23A = math.exp2 %dot_general3A_8 : vector<1024x10000xf32>
    %reduce_sum3A = arith.constant dense<0.000000e+00> : vector<1024xf32>
    %reduce_sum3A_12 = vector.multi_reduction <add>, %exp23A, %reduce_sum3A [1] : vector<1024x10000xf32> to vector<1024xf32>
    %broadcast_in_dim3A = vector.shape_cast %reduce_sum3A_12 : vector<1024xf32> to vector<1024x1xf32>
    %add3A = arith.addf %get3A_11, %broadcast_in_dim3A : vector<1024x1xf32>
    %swap3A = arith.constant 0 : index
    %swap3A_13 = arith.constant 0 : index
    %swap3A_14 = vector.load %arg5[%swap3A, %swap3A_13] : memref<1024x1xf32, #tpu.memory_space<vmem>>, vector<1024x1xf32>
    tpu.vector_store %arg5[%swap3A, %swap3A_13], %add3A {strides = array<i32>} : memref<1024x1xf32, #tpu.memory_space<vmem>>, vector<1024x1xf32>,
    %eq3A_15 = arith.constant 9 : i32
    %eq3A_16 = arith.cmpi eq, %arg0, %eq3A_15 : i32
    %convert_element_type3A_17 = arith.extui %eq3A_16 : i1 to i32
    %cond3A_18 = arith.constant 0 : i32
    %cond3A_19 = arith.cmpi ne, %convert_element_type3A_17, %cond3A_18 : i32
    scf.if %cond3A_19 {
      %get3A_20 = arith.constant 0 : index
      %get3A_21 = arith.constant 0 : index
      %get3A_22 = vector.load %arg5[%get3A_20, %get3A_21] : memref<1024x1xf32, #tpu.memory_space<vmem>>, vector<1024x1xf32>
      %swap3A_23 = arith.constant 0 : index
      %swap3A_24 = arith.constant 0 : index
      %swap3A_25 = vector.load %arg3[%swap3A_23, %swap3A_24] : memref<1024x1xf32, #tpu.memory_space<vmem>>, vector<1024x1xf32>
      tpu.vector_store %arg3[%swap3A_23, %swap3A_24], %get3A_22 {strides = array<i32>} : memref<1024x1xf32, #tpu.memory_space<vmem>>, vector<1024x1xf32>,
    } else {
    }
    return
  }
  func.func @transform_0(%arg0: i32) -> (i32, i32) {
    %c0_i32 = arith.constant 0 : i32
    %c0_i32_0 = arith.constant 0 : i32
    %c0_i32_1 = arith.constant 0 : i32
    return %c0_i32, %c0_i32_0 : i32, i32
  }
  func.func @transform_1(%arg0: i32) -> (i32, i32) {
    %c0_i32 = arith.constant 0 : i32
    %c0_i32_0 = arith.constant 0 : i32
    return %arg0, %c0_i32 : i32, i32
  }
  func.func @transform_2(%arg0: i32) -> (i32, i32) {
    %c0_i32 = arith.constant 0 : i32
    %c0_i32_0 = arith.constant 0 : i32
    %c0_i32_1 = arith.constant 0 : i32
    return %c0_i32, %c0_i32_0 : i32, i32
  }
}

</mosaic_0001>

<sc_bundles>
// kernel: kernel.5.cloned.1.call-start
scs
__scs_entry_jumppad:
0x0: {  	(pc) =	sbr.rel $0x88, $3  }
0x1: {  	(tag) =	ssettag $0x0;
	lr =	simm.s32 $0x1  }
0x2: {  	[smem:$0x3F9C] =	sst lr;
	_ =	strace $0xD0000000  }
0x3: {  	_ = 	snop  }
0x4: {  	_ = 	snop  }
0x5: {  	_ = 	snop  }
0x6: {  	_ = 	snop  }
0x7: {  	_ = 	snop  }
__scs_overlays_trampoline_lowered:
0x8: {  	[smem:$0x3FAB] =	sst s0  }
0x9: {  	[smem:$0x3FAC] =	sst s1  }
0xa: {  	[smem:$0x3FAD] =	sst s2  }
0xb: {  	[smem:$0x3FAE] =	sst s3  }
0xc: {  	[smem:$0x3FAF] =	sst s4  }
0xd: {  	[smem:$0x3FB0] =	sst s5  }
0xe: {  	[smem:$0x3FB1] =	sst s6  }
0xf: {  	[smem:$0x3FB2] =	sst s7  }
0x10: {  	[smem:$0x3FB3] =	sst s8  }
0x11: {  	[smem:$0x3FB4] =	sst s9;
	s0 =	simm.s32 @!p0 $0x0  }
0x12: {  	s1 =	sld [smem:$0x3F9A];
	s0 =	simm.s32 @p0 $0x1  }
0x13: {  	[smem:$0x3FB5] =	sst s0;
	s0 =	simm.s32 @!p1 $0x0  }
0x14: {  	s2 =	sld [smem:$0x3F99];
	s0 =	simm.s32 @p1 $0x1  }
0x15: {  	[smem:$0x3FB6] =	sst s0;
	s0 =	simm.s32 @!p2 $0x0  }
0x16: {  	s3 =	sld [smem:$0x3FDB];
	s0 =	simm.s32 @p2 $0x1  }
0x17: {  	s4 =	simm.s32 $0x1BF5;
	[smem:$0x3FB8] =	sst s0  }
0x18: {  	s0 =	sld [smem:$0x3F9B];
	_ =	swait.ge [sflag:s4], $0x0  }
0x19: {  	s7 =	sld [smem:$0x3F9C]  }
0x1a: {  	s8 =	sadd.s32 $0xFFFFE003, lr  }
0x1b: {  	s9 =	sadd.s32 $0xFFFFFEF7, lr;
	s5 =	simm.s32 $0xFFFFFFFF;
	p2 =	slt.u32 s8, $0xFFFFF086  }
0x1c: {  	p1 =	slt.u32 s9, $0xF7A;
	s5 =	simm.s32 @!p2 $0x0  }
0x1d: {  	s5 =	simm.s32 @p1 $0x1;
	p0 =	seq.s32 s7, s2  }
0x1e: {  	s7 =	smul.u32 @!p0 $0xF7A, s2;
	p2 =	seq.s32 @!p0 s5, $0x0  }
0x1f: {  	s9 =	smul.u32 $0xF7A, s1;
	s8 =	simm.s32 @!p0 $0x1BF5;
	p2 =	por !p2, p0  }
0x20: {  	[sflag:s8] =	ssyncset.s32 @!p0 $0xFFFFF086;
	s6 =	sadd.s32 @!p0 s3, s7;
	s7 =	simm.s32 @!p0 $0x108  }
0x21: {  	s3 =	sadd.s32 s3, s9;
	s6 =	sadd.s32 @!p0 $0x88, s6;
	s7 =	simm.s32 @p2 $0x1082  }
0x22: {  	[simem:s7], [sflag:s8] =	dma.local @!p0 [hbm:s6], $0xF7A  }
0x23: {  	s9 =	sor.u32 $0xD0000000, s2;
	s6 =	simm.s32 $0x108;
	_ =	swait.ge @!p0 [sflag:s8], $0x0  }
0x24: {  	s3 =	sadd.s32 $0x88, s3;
	s6 =	simm.s32 @!p1 $0x1082;
	[sflag:s4] =	ssyncset.s32 $0xFFFFF086  }
0x25: {  	[simem:s6], [sflag:s4] =	dma.local [hbm:s3], $0xF7A  }
0x26: {  	[smem:$0x3F9C] =	sst s1;
	(tag) =	ssettag s2;
	_ =	strace s9  }
0x27: {  	s1 =	sld [smem:$0x3FAC]  }
0x28: {  	s2 =	sld [smem:$0x3FAD]  }
0x29: {  	s4 =	sld [smem:$0x3FAF]  }
0x2a: {  	p0 =	seq.s32 s5, $0x0;
	s5 =	sld [smem:$0x3FB0]  }
0x2b: {  	s6 =	sld [smem:$0x3FB1]  }
0x2c: {  	s7 =	sld [smem:$0x3FB2]  }
0x2d: {  	s3 =	simm.s32 $0x108;
	s8 =	sld [smem:$0x3FB3]  }
0x2e: {  	s3 =	simm.s32 @!p0 $0x1082;
	s9 =	sld [smem:$0x3FB4]  }
0x2f: {  	lr =	sadd.s32 s0, s3;
	s0 =	sld [smem:$0x3FAB]  }
0x30: {  	s3 =	sld [smem:$0x3FAE]  }
0x31: {  	[smem:$0x3FB7] =	sst s10  }
0x32: {  	s10 =	sld [smem:$0x3FB5];
	_ =	sdelay $0x3  }
0x33: {  	p0 =	seq.s32 s10, $0x1;
	s10 =	sld [smem:$0x3FB7];
	_ =	sdelay $0x3  }
0x34: {  	[smem:$0x3FB7] =	sst s10  }
0x35: {  	s10 =	sld [smem:$0x3FB6];
	_ =	sdelay $0x3  }
0x36: {  	p1 =	seq.s32 s10, $0x1;
	s10 =	sld [smem:$0x3FB7];
	_ =	sdelay $0x3  }
0x37: {  	[smem:$0x3FB7] =	sst s10  }
0x38: {  	s10 =	sld [smem:$0x3FB8]  }
0x39: {  	_ = 	snop;
	(pc) =	sbr.ind lr, $3  }
0x3a: {  	_ = 	snop  }
0x3b: {  	_ = 	snop  }
0x3c: {  	p2 =	seq.s32 s10, $0x1;
	s10 =	sld [smem:$0x3FB7]  }
0x3d: {  	_ =	shalt  }
0x3e: {  	_ =	shalt  }
0x3f: {  	_ =	shalt  }
0x40: {  	_ =	shalt  }
0x41: {  	_ =	shalt  }
0x42: {  	_ =	shalt  }
0x43: {  	_ =	shalt  }
0x44: {  	_ =	shalt  }
0x45: {  	_ =	shalt  }
0x46: {  	_ =	shalt  }
0x47: {  	_ =	shalt  }
0x48: {  	_ =	shalt  }
0x49: {  	_ =	shalt  }
0x4a: {  	_ =	shalt  }
0x4b: {  	_ =	shalt  }
0x4c: {  	_ =	shalt  }
0x4d: {  	_ =	shalt  }
0x4e: {  	_ =	shalt  }
0x4f: {  	_ =	shalt  }
0x50: {  	_ =	shalt  }
0x51: {  	_ =	shalt  }
0x52: {  	_ =	shalt  }
0x53: {  	_ =	shalt  }
0x54: {  	_ =	shalt  }
0x55: {  	_ =	shalt  }
0x56: {  	_ =	shalt  }
0x57: {  	_ =	shalt  }
0x58: {  	_ =	shalt  }
0x59: {  	_ =	shalt  }
0x5a: {  	_ =	shalt  }
0x5b: {  	_ =	shalt  }
0x5c: {  	_ =	shalt  }
0x5d: {  	_ =	shalt  }
0x5e: {  	_ =	shalt  }
0x5f: {  	_ =	shalt  }
0x60: {  	_ =	shalt  }
0x61: {  	_ =	shalt  }
0x62: {  	_ =	shalt  }
0x63: {  	_ =	shalt  }
0x64: {  	_ =	shalt  }
0x65: {  	_ =	shalt  }
0x66: {  	_ =	shalt  }
0x67: {  	_ =	shalt  }
0x68: {  	_ =	shalt  }
0x69: {  	_ =	shalt  }
0x6a: {  	_ =	shalt  }
0x6b: {  	_ =	shalt  }
0x6c: {  	_ =	shalt  }
0x6d: {  	_ =	shalt  }
0x6e: {  	_ =	shalt  }
0x6f: {  	_ =	shalt  }
0x70: {  	_ =	shalt  }
0x71: {  	_ =	shalt  }
0x72: {  	_ =	shalt  }
0x73: {  	_ =	shalt  }
0x74: {  	_ =	shalt  }
0x75: {  	_ =	shalt  }
0x76: {  	_ =	shalt  }
0x77: {  	_ =	shalt  }
0x78: {  	_ =	shalt  }
0x79: {  	_ =	shalt  }
0x7a: {  	_ =	shalt  }
0x7b: {  	_ =	shalt  }
0x7c: {  	_ =	shalt  }
0x7d: {  	_ =	shalt  }
0x7e: {  	_ =	shalt  }
0x7f: {  	_ =	shalt  }
0x80: {  	_ =	shalt  }
0x81: {  	_ =	shalt  }
0x82: {  	_ =	shalt  }
0x83: {  	_ =	shalt  }
0x84: {  	_ =	shalt  }
0x85: {  	_ =	shalt  }
0x86: {  	_ =	shalt  }
0x87: {  	_ =	shalt  }
.Lfunc_end0:
.L_simem_size_0:
called_computation_lowered:
.L_overlay_start_0:
0x88: {  	s2 =	sld [smem:$0x3FD9]  }
0x89: {  	s3 =	sld [smem:$0x3FFE];
	_ =	sdelay $0x1  }
0x8a: {  	s1 =	srdreg.scid  }
0x8b: {  	s0 =	sand.u32 $0x1, s1  }
0x8c: {  	s17 =	sshll.u32 s0, $0xA;
	s2 =	sadd.s32 s3, s2  }
0x8d: {  	s2 =	sadd.s32 s2, s17  }
0x8e: {  	[smem:$0x3FC3] =	sst s2  }
0x8f: {  	_ = 	snop  }
0x90: {  	s2 =	sld [smem:$0x3FC8]  }
0x91: {  	s18 =	sld [smem:$0x3FC7]  }
0x92: {  	s4 =	sld [smem:$0x3FC6];
	(tm) =	ssettm $0x1  }
0x93: {  	s5 =	sld [smem:$0x3FFB];
	_ =	sdelay $0x3  }
0x94: {  	_ =	strace s5  }
0x95: {  	s5 =	sld [smem:$0x3FFC];
	_ =	sdelay $0x3  }
0x96: {  	_ =	strace s5  }
0x97: {  	s5 =	sld [smem:$0x3FFD];
	_ =	sdelay $0x3  }
0x98: {  	_ =	strace s5  }
0x99: {  	_ =	strace $0x8FFFFFFF  }
0x9a: {  	s19 =	sld [smem:$0x3FDB];
	_ =	sdelay $0x1  }
0x9b: {  	s6 =	simm.s32 $_scs_section_size  }
0x9c: {  	s7 =	simm.s32 $_size__tile_overlayer_lowered;
	s8 =	simm.s32 $_tile_overlayer_lowered  }
0x9d: {  	s22 =	simm.s32 $0x1BFF;
	s21 =	sshll.u32 s8, $0x1;
	s5 =	sadd.s32 s6, s19  }
0x9e: {  	s9 =	simm.s32 $0x0;
	s20 =	sshll.u32 s7, $0x1;
	s7 =	sadd.s32 s21, s5  }
0x9f: {  	[timem:s9], [sflag:s22] =	dma.local [hbm:s7], s20  }
0xa0: {  	_ =	swait.ge [sflag:s22], s20  }
0xa1: {  	s6 =	ssub.s32 $0x0, s20;
	[sflag:s22] =	ssyncset.done $0x0  }
0xa2: {  	[sflag:s22] =	ssyncadd.s32 s6;
	_ =	sdelay $0x1  }
0xa3: {  	s23 =	simm.s32 $0x1B8B  }
0xa4: {  	_ =	swait.ge [sflag:s23], $0x1  }
0xa5: {  	[sflag:s23] =	ssyncset.done $0x0  }
0xa6: {  	s25 =	simm.s32 $0x1B8E;
	s24 =	sld [smem:$0x3FFE];
	[sflag:s23] =	ssyncadd.s32 $0xFFFFFFFF  }
0xa7: {  	s26 =	simm.s32 $execute0_lowered;
	[smem:$0x3FD2] =	sst s25  }
0xa8: {  	s7 =	sshll.u32 s26, $0x1;
	_ =	strace $0x80000046;
	[dreg:$0x1] =	wrdreg $0xFFFFFFFF  }
0xa9: {  	s28 =	simm.s32 $_size_execute0_lowered;
	s5 =	sadd.s32 s5, s7;
	[dreg:$0x0] =	wrdreg $0x0  }
0xaa: {  	s7 =	sshll.u32 s28, $0x1;
	[dreg:$0x2] =	wrdreg s5  }
0xab: {  	[dreg:$0x3] =	wrdreg s7  }
0xac: {  	[dreg:$0x4] =	wrdreg $0xC0  }
0xad: {  	_ =	task [dreg:s9], $0x5FFFF  }
0xae: {  	[dreg:$0x1] =	wrdreg $0xFFFFFFFF  }
0xaf: {  	[dreg:$0x0] =	wrdreg $0x60  }
0xb0: {  	[dreg:$0x2] =	wrdreg s4  }
0xb1: {  	[dreg:$0x3] =	wrdreg s24  }
0xb2: {  	[dreg:$0x4] =	wrdreg s2  }
0xb3: {  	[dreg:$0x5] =	wrdreg s18  }
0xb4: {  	[dreg:$0x6] =	wrdreg $0x9  }
0xb5: {  	_ =	task.clear_ibuf [dreg:s9], $0x7FFFF;
	_ =	strace $0x90000046  }
0xb6: {  	s29 =	simm.s32 $0x9;
	_ =	strace $0x80000048  }
0xb7: {  	_ =	swait.ge [sflag:s29], $0x1  }
0xb8: {  	[sflag:s29] =	ssyncadd.s32 $0xFFFFFFFF  }
0xb9: {  	_ =	strace $0x90000048  }
0xba: {  	_ =	sfence  }
0xbb: {  	s30 =	sld [smem:$0x0];
	_ =	sdelay $0x2  }
0xbc: {  	s31 =	sshll.u32 s1, $0xD;
	s1 =	sshrl.u32 s1, $0x2  }
0xbd: {  	s3 =	sand.u32 $0x4000, s31;
	s1 =	sadd.s32 s1, s30  }
0xbe: {  	s0 =	sor.u32 s3, s0;
	s1 =	sshll.u32 s1, $0x11  }
0xbf: {  	s0 =	sor.u32 s1, s0  }
0xc0: {  	s0 =	sadd.s32 $0x8F2B, s0  }
0xc1: {  	[sflag:s0] =	ssyncadd.remote.s32 $0x1  }
0xc2: {  	_ =	sfence.sel $0xFFFF  }
0xc3: {  	[dreg:$0x0] =	wrdreg $0xFFFFFFFF;
	(pc) =	sbr.abs _section_cstart, $3  }
0xc4: {  	[dreg:$0x1] =	wrdreg $0xFFFFFFFF  }
0xc5: {  	_ =	task.clear_ibuf [dreg:s9], $0x2FFFF;
	_ =	strace $0x9FFFFFFF  }
0xc6: {  	(tm) =	ssettm $0x7FFFFFFF  }
0xc7: {  	_ =	shalt  }
tec
execute0_lowered:
.L_overlay_start_1:
0x0: {  	(tag) =	ssettag $0x1  }
0x1: {  	s1 =	rddreg [dreg:$0x0]  }
0x2: {  	s15 =	rddreg [dreg:$0x1];
	s2 =	srdreg.scid  }
0x3: {  	s4 =	rddreg [dreg:$0x2];
	s0 =	stileid.u32;
	s16 =	sand.u32 $0x1, s2  }
0x4: {  	s6 =	rddreg [dreg:$0x3];
	s5 =	sshll.u32 s0, $0x6;
	s7 =	sshll.u32 s16, $0x5  }
0x5: {  	s3 =	simm.s32 $0x0;
	s2 =	rddreg [dreg:$0x4];
	s17 =	sor.u32 s7, s5  }
0x6: {  	[smem:$0x7FF] =	sst s3;
	s7 =	sshrl.u32 s17, $0x3  }
0x7: {  	_ =	strace $0x80000047;
	s5 =	sadd.s32 s4, s7;
	s4 =	simm.s32 $0x3  }
0x8: {  	[tilespmem:s3], [sflag:$0x3] =	stream.linear.gather [hbm4b:s5+s3], $0x20, $0x38;
	[tilespmem:$0x2180] =	vst v63  }
0x9: {  	_ =	swait.ge [sflag:s4], $0x20  }
0xa: {  	[sflag:s4] =	ssyncset.done $0x0  }
0xb: {  	s6 =	sadd.s32 s6, s7;
	s7 =	simm.s32 $0x80;
	[sflag:s4] =	ssyncadd.s32 $0xFFFFFFE0  }
0xc: {  	[tilespmem:s7], [sflag:$0x3] =	stream.linear.gather [hbm4b:s6+s3], $0x20, $0x38;
	[tilespmem:$0x2180] =	vst v63  }
0xd: {  	_ =	swait.ge [sflag:s4], $0x20  }
0xe: {  	[sflag:s4] =	ssyncset.done $0x0  }
0xf: {  	s8 =	simm.s32 $0x20;
	s9 =	simm.s32 $0x180;
	[sflag:s4] =	ssyncadd.s32 $0xFFFFFFE0  }
0x10: {  	[tilespmem:s9], [sflag:$0x1] =	stream.indirect.gather [hbm4b:s1+s8], $0x80, s3, s8, $0xb8;
	[tilespmem:$0x2180] =	vst v63  }
0x11: {  	v0 =	vld [tilespmem:$0x80]  }
0x12: {  	v1 =	vld [tilespmem:$0x90];
	_ =	sdelay $0x3  }
0x13: {  	v0 =	vshrl.u32 v0, $0x7  }
0x14: {  	s11 =	simm.s32 $0x100;
	v63 =	vshrl.u32 v1, $0x7;
	[tilespmem:$0x100] =	vst v0  }
0x15: {  	s12 =	simm.s32 $0x1180;
	s13 =	simm.s32 $0x1;
	s10 =	sadd.s32 $0x1000, s15;
	[tilespmem:$0x110] =	vst v63  }
0x16: {  	[tilespmem:s12], [sflag:$0x2] =	stream.indirect.gather [hbm4b:s10+s8], $0x80, s11, s8, $0xb8;
	[tilespmem:$0x2180] =	vst v63  }
0x17: {  	_ =	swait.ge [sflag:s13], $0x1000  }
0x18: {  	s16 =	ssub.s32 $0x2, s16;
	[sflag:s13] =	ssyncset.done $0x0  }
0x19: {  	s14 =	simm.s32 $0x2;
	s18 =	sshrl.u32 s16, $0x1;
	[sflag:s13] =	ssyncadd.s32 $0xFFFFF000  }
0x1a: {  	s17 =	sshll.u32 s17, $0x4;
	s18 =	ssub.s32 s16, s18;
	_ =	swait.ge [sflag:s14], $0x1000  }
0x1b: {  	s17 =	sadd.s32 s17, s15;
	s31 =	smax.u32 s18, $0x1;
	[sflag:s14] =	ssyncset.done $0x0  }
0x1c: {  	s15 =	sadd.s32 $0x4200, s17;
	p0 =	sne.s32 s31, $0x1;
	[sflag:s14] =	ssyncadd.s32 $0xFFFFF000  }
0x1d: {  	[hbm4b:s15+s3] =	stream.linear.scatter [tilespmem:s9], [sflag:$0x3], $0x1000, $0x38;
	[tilespmem:$0x2180] =	vst v63  }
.Ltmp0:
0x1e: {  	_ =	swait.ge [sflag:s4], $0x1000;
	(pc) =	sbr.rel @!p0 .LBB2_2-.Ltmp0, $4  }
0x1f: {  	[sflag:s4] =	ssyncset.done $0x0  }
0x20: {  	s16 =	sadd.s32 $0x8200, s17;
	[sflag:s4] =	ssyncadd.s32 $0xFFFFF000  }
0x21: {  	[hbm4b:s16+s3] =	stream.linear.scatter [tilespmem:s12], [sflag:$0x3], $0x1000, $0x38;
	[tilespmem:$0x2180] =	vst v63  }
0x22: {  	s17 =	sadd.s32 $0xFFFFFFFF, s31;
	_ =	swait.ge [sflag:s4], $0x1000  }
.LBB2_1:
0x23: {  	p0 =	sne.s32 s17, $0x1;
	s17 =	sadd.s32 $0xFFFFFFFF, s17;
	[sflag:s4] =	ssyncset.done $0x0  }
0x24: {  	[sflag:s4] =	ssyncadd.s32 $0xFFFFF000  }
0x25: {  	[tilespmem:s3], [sflag:$0x3] =	stream.linear.gather [hbm4b:s5+s3], $0x20, $0x38;
	[tilespmem:$0x2180] =	vst v63  }
0x26: {  	_ =	swait.ge [sflag:s4], $0x20  }
0x27: {  	[sflag:s4] =	ssyncset.done $0x0  }
0x28: {  	[sflag:s4] =	ssyncadd.s32 $0xFFFFFFE0  }
0x29: {  	[tilespmem:s7], [sflag:$0x3] =	stream.linear.gather [hbm4b:s6+s3], $0x20, $0x38;
	[tilespmem:$0x2180] =	vst v63  }
0x2a: {  	_ =	swait.ge [sflag:s4], $0x20  }
0x2b: {  	[sflag:s4] =	ssyncset.done $0x0  }
0x2c: {  	[sflag:s4] =	ssyncadd.s32 $0xFFFFFFE0  }
0x2d: {  	[tilespmem:s9], [sflag:$0x1] =	stream.indirect.gather [hbm4b:s1+s8], $0x80, s3, s8, $0xb8;
	[tilespmem:$0x2180] =	vst v63  }
0x2e: {  	v0 =	vld [tilespmem:$0x80]  }
0x2f: {  	v1 =	vld [tilespmem:$0x90];
	_ =	sdelay $0x3  }
0x30: {  	v0 =	vshrl.u32 v0, $0x7  }
0x31: {  	[tilespmem:$0x100] =	vst v0;
	v0 =	vshrl.u32 v1, $0x7  }
0x32: {  	[tilespmem:$0x110] =	vst v0  }
0x33: {  	[tilespmem:s12], [sflag:$0x2] =	stream.indirect.gather [hbm4b:s10+s8], $0x80, s11, s8, $0xb8;
	[tilespmem:$0x2180] =	vst v63  }
0x34: {  	_ =	swait.ge [sflag:s13], $0x1000  }
0x35: {  	[sflag:s13] =	ssyncset.done $0x0  }
0x36: {  	[sflag:s13] =	ssyncadd.s32 $0xFFFFF000  }
0x37: {  	_ =	swait.ge [sflag:s14], $0x1000  }
0x38: {  	[sflag:s14] =	ssyncset.done $0x0  }
0x39: {  	[sflag:s14] =	ssyncadd.s32 $0xFFFFF000  }
0x3a: {  	[hbm4b:s15+s3] =	stream.linear.scatter [tilespmem:s9], [sflag:$0x3], $0x1000, $0x38;
	[tilespmem:$0x2180] =	vst v63  }
.Ltmp1:
0x3b: {  	_ =	swait.ge [sflag:s4], $0x1000;
	(pc) =	sbr.rel @p0 .LBB2_1-.Ltmp1, $4  }
0x3c: {  	[sflag:s4] =	ssyncset.done $0x0  }
0x3d: {  	[sflag:s4] =	ssyncadd.s32 $0xFFFFF000  }
0x3e: {  	[hbm4b:s16+s3] =	stream.linear.scatter [tilespmem:s12], [sflag:$0x3], $0x1000, $0x38;
	[tilespmem:$0x2180] =	vst v63  }
0x3f: {  	_ =	swait.ge [sflag:s4], $0x1000  }
.LBB2_2:
0x40: {  	[sflag:s4] =	ssyncset.done $0x0  }
0x41: {  	[sflag:s4] =	ssyncadd.s32 $0xFFFFF000  }
0x42: {  	_ =	sfence.sel $0x180000  }
0x43: {  	[bflag:$0x0] =	sbarrier.arrive $0xFFFF  }
0x44: {  	p0 =	sne.s32 s0, $0x0;
	_ =	strace $0x90000047  }
0x45: {  	s0 =	sadd.s32 @!p0 $0x100000, s2;
	[bflag:$0x2] =	sbarrier.arrive $0xFFFF  }
0x46: {  	[sflag:s0] =	ssyncadd.tile.s32 @!p0 $0x1;
	_ =	shalt  }
.Lfunc_end2:
_tile_overlayer_lowered:
.L_overlay_start_2:
0x47: {  	(tag) =	ssettag $0x2  }
0x48: {  	s0 =	rddreg [dreg:$0x0];
	s2 =	stileid.u32  }
0x49: {  	s1 =	rddreg [dreg:$0x1];
	p0 =	sne.s32 s2, $0x0  }
0x4a: {  	s3 =	rddreg [dreg:$0x2];
	[bflag:$0x3] =	sbarrier.arrive $0xFFFF;
	s2 =	simm.s32 @!p0 $0x1C03  }
0x4b: {  	[timem:s3], [sflag:s2] =	dma.local @!p0 [hbm:s0], s1  }
0x4c: {  	s0 =	simm.s32 @!p0 $0x3  }
0x4d: {  	_ =	swait.ge @!p0 [sflag:s0], s1  }
0x4e: {  	s1 =	ssub.s32 @!p0 $0x0, s1;
	[sflag:s0] =	ssyncset.done @!p0 $0x0  }
0x4f: {  	[sflag:s0] =	ssyncadd.s32 @!p0 s1  }
0x50: {  	[bflag:$0x3] =	sbarrier.arrive $0xFFFF  }
0x51: {  	_ =	shalt  }

</sc_bundles>
